<compile_context>
chip_gen: v7x
topology: tpu7x:2x2x1
jax: 0.10.2.dev20260603
libtpu: 0.0.44.dev20260713+nightly
codegen_flags: <defaults>
</compile_context>

<pallas_src>
import functools

import jax
import jax.numpy as jnp
from jax import lax
from jax.experimental import pallas as pl
from jax.experimental.pallas import tpu as pltpu
from jax.experimental.pallas import tpu_sc as plsc

_NC = 2
_NS = 16
_NW = _NC * _NS
_L = 16
_CH = 112
_ROWW = 144

_NPB = 313
_DIVM = 214406
_DIVS = 26
_CAP16 = 56
_REG = 16 * _CAP16
_NCHMAX = 110
_CAPB = _NCHMAX * _CH

_SC_PARAMS = pltpu.CompilerParams(
    use_tc_tiling_on_sc=False, needs_layout_passes=False)
_MESH = dict(core_axis_name="c", subcore_axis_name="s")



def _mm_kernel(x_ref, wext_ref, wdst_ref, hext_ref, adst_ref):
    x = x_ref[...]
    hext_ref[...] = jnp.dot(x, wext_ref[...], preferred_element_type=jnp.float32)
    adst_ref[...] = jnp.dot(x, wdst_ref[...], preferred_element_type=jnp.float32)


def _ep_mm_kernel(acc_ref, rep_ref, b_ref, wext_ref, wdst_ref,
                  hext_ref, adst_ref):
    a = acc_ref[...]
    den = jnp.dot(a[:, 128:144], rep_ref[...], preferred_element_type=jnp.float32)
    x = a[:, :128] / (den + 1e-16) + b_ref[...]
    x = jnp.where(x > 0, x, jnp.exp(x) - 1.0)
    hext_ref[...] = jnp.dot(x, wext_ref[...], preferred_element_type=jnp.float32)
    adst_ref[...] = jnp.dot(x, wdst_ref[...], preferred_element_type=jnp.float32)


def _ep_final_kernel(acc_ref, rep_ref, b_ref, out_ref):
    a = acc_ref[...]
    den = jnp.dot(a[:, 128:144], rep_ref[...], preferred_element_type=jnp.float32)
    x = a[:, :128] / (den + 1e-16) + b_ref[...]
    out_ref[...] = jnp.where(x > 0, x, jnp.exp(x) - 1.0)


def _tc_project(x, wext, wdst, n_blocks=10):
    n = x.shape[0]
    blk = n // n_blocks
    d = x.shape[1]
    return pl.pallas_call(
        _mm_kernel,
        grid=(n_blocks,),
        in_specs=[
            pl.BlockSpec((blk, d), lambda i: (i, 0)),
            pl.BlockSpec((d, _ROWW), lambda i: (0, 0)),
            pl.BlockSpec((d, 16), lambda i: (0, 0)),
        ],
        out_specs=[
            pl.BlockSpec((blk, _ROWW), lambda i: (i, 0)),
            pl.BlockSpec((blk, 16), lambda i: (i, 0)),
        ],
        out_shape=[
            jax.ShapeDtypeStruct((n, _ROWW), jnp.float32),
            jax.ShapeDtypeStruct((n, 16), jnp.float32),
        ],
    )(x, wext, wdst)


def _tc_epilogue_project(acc, rep, bias2d, wext, wdst, n_blocks=10):
    n = acc.shape[0]
    blk = n // n_blocks
    return pl.pallas_call(
        _ep_mm_kernel,
        grid=(n_blocks,),
        in_specs=[
            pl.BlockSpec((blk, _ROWW), lambda i: (i, 0)),
            pl.BlockSpec((16, 128), lambda i: (0, 0)),
            pl.BlockSpec((1, 128), lambda i: (0, 0)),
            pl.BlockSpec((128, _ROWW), lambda i: (0, 0)),
            pl.BlockSpec((128, 16), lambda i: (0, 0)),
        ],
        out_specs=[
            pl.BlockSpec((blk, _ROWW), lambda i: (i, 0)),
            pl.BlockSpec((blk, 16), lambda i: (i, 0)),
        ],
        out_shape=[
            jax.ShapeDtypeStruct((n, _ROWW), jnp.float32),
            jax.ShapeDtypeStruct((n, 16), jnp.float32),
        ],
    )(acc, rep, bias2d, wext, wdst)


def _tc_epilogue_final(acc, rep, bias2d, n_blocks=10):
    n = acc.shape[0]
    blk = n // n_blocks
    return pl.pallas_call(
        _ep_final_kernel,
        grid=(n_blocks,),
        in_specs=[
            pl.BlockSpec((blk, _ROWW), lambda i: (i, 0)),
            pl.BlockSpec((16, 128), lambda i: (0, 0)),
            pl.BlockSpec((1, 128), lambda i: (0, 0)),
        ],
        out_specs=pl.BlockSpec((blk, 128), lambda i: (i, 0)),
        out_shape=jax.ShapeDtypeStruct((n, 128), jnp.float32),
    )(acc, rep, bias2d)



@jax.jit
def _sc_bucket_stage(src, dst):
    e = src.shape[0]
    ept = e // _NW
    assert ept % _L == 0

    @functools.partial(
        pl.kernel,
        out_type=[
            jax.ShapeDtypeStruct((_NW * _NW * _REG,), jnp.int32),
            jax.ShapeDtypeStruct((_NW * _NW * _REG,), jnp.int32),
            jax.ShapeDtypeStruct((_NW * _NW * 16,), jnp.int32),
        ],
        mesh=plsc.VectorSubcoreMesh(**_MESH),
        compiler_params=_SC_PARAMS,
        scratch_types=[
            pltpu.VMEM((ept,), jnp.int32),
            pltpu.VMEM((ept,), jnp.int32),
            pltpu.VMEM((_NW * _REG,), jnp.int32),
            pltpu.VMEM((_NW * _REG,), jnp.int32),
            pltpu.VMEM((_NW * 16,), jnp.int32),
        ],
    )
    def k(src_h, dst_h, ssrc_h, sdst_h, cnt_h, ebs, ebd, sts, std, cnt):
        cid = lax.axis_index("c")
        sid = lax.axis_index("s")
        wid = sid * _NC + cid
        ei = lax.iota(jnp.int32, _L)

        pltpu.sync_copy(src_h.at[pl.ds(wid * ept, ept)], ebs)
        pltpu.sync_copy(dst_h.at[pl.ds(wid * ept, ept)], ebd)

        def zc(i, _):
            cnt[pl.ds(i * _L, _L)] = jnp.zeros((_L,), jnp.int32)
            return 0
        lax.fori_loop(0, _NW, zc, 0)

        def grp(g, _):
            sv = ebs[pl.ds(g * _L, _L)]
            dv = ebd[pl.ds(g * _L, _L)]
            bv = (dv * _DIVM) >> _DIVS
            cidx = bv * _L + ei
            c = plsc.load_gather(cnt, [cidx])
            plsc.store_scatter(cnt, [cidx], c + 1)
            slot = jnp.minimum(c, _CAP16 - 1)
            sidx = bv * _REG + slot * _L + ei
            plsc.store_scatter(sts, [sidx], sv)
            plsc.store_scatter(std, [sidx], dv)
            return 0
        lax.fori_loop(0, ept // _L, grp, 0)

        pltpu.sync_copy(sts, ssrc_h.at[pl.ds(wid * _NW * _REG, _NW * _REG)])
        pltpu.sync_copy(std, sdst_h.at[pl.ds(wid * _NW * _REG, _NW * _REG)])
        pltpu.sync_copy(cnt, cnt_h.at[pl.ds(wid * _NW * 16, _NW * 16)])

    return k(src, dst)



@functools.partial(jax.jit, static_argnames=("n_nodes",))
def _sc_compact(ssrc, sdst, counts, *, n_nodes):

    @functools.partial(
        pl.kernel,
        out_type=[
            jax.ShapeDtypeStruct((_NW * _CAPB,), jnp.int32),
            jax.ShapeDtypeStruct((_NW * _CAPB,), jnp.int32),
            jax.ShapeDtypeStruct((_NW * 16,), jnp.int32),
        ],
        mesh=plsc.VectorSubcoreMesh(**_MESH),
        compiler_params=_SC_PARAMS,
        scratch_types=[
            pltpu.VMEM((_NW * _REG,), jnp.int32),
            pltpu.VMEM((_NW * _REG,), jnp.int32),
            pltpu.VMEM((_NW * 16,), jnp.int32),
            pltpu.VMEM((_CAPB,), jnp.int32),
            pltpu.VMEM((_CAPB,), jnp.int32),
            pltpu.VMEM((_L,), jnp.int32),
            pltpu.SemaphoreType.DMA,
        ],
    )
    def k(ssrc_h, sdst_h, cnt_h, dsrc_h, ddst_h, ntot_h,
          rs, rd, rc, ds_v, dd_v, nt_v, sem):
        cid = lax.axis_index("c")
        sid = lax.axis_index("s")
        wid = sid * _NC + cid
        ei = lax.iota(jnp.int32, _L)

        cps = []
        for t in range(_NW):
            off = t * _NW * _REG + wid * _REG
            cps.append(pltpu.async_copy(
                ssrc_h.at[pl.ds(off, _REG)], rs.at[pl.ds(t * _REG, _REG)], sem))
            cps.append(pltpu.async_copy(
                sdst_h.at[pl.ds(off, _REG)], rd.at[pl.ds(t * _REG, _REG)], sem))
            coff = t * _NW * 16 + wid * 16
            cps.append(pltpu.async_copy(
                cnt_h.at[pl.ds(coff, 16)], rc.at[pl.ds(t * 16, 16)], sem))

        base_fill = jnp.broadcast_to(wid * _NPB, (_L,)).astype(jnp.int32)

        def zd(i, _):
            ds_v[pl.ds(i * _L, _L)] = jnp.zeros((_L,), jnp.int32)
            dd_v[pl.ds(i * _L, _L)] = base_fill
            return 0
        lax.fori_loop(0, _CAPB // _L, zd, 0)
        for cp in cps:
            cp.wait()

        def region(t, cur):
            cvec = jnp.minimum(rc[pl.ds(t * 16, _L)], _CAP16)

            def slot(s, cur2):
                cur2 = jnp.minimum(cur2, _CAPB - _L)
                msk = cvec > s
                base = t * _REG + s * _L
                plsc.store_compressed(ds_v.at[pl.ds(cur2, _L)],
                                      rs[pl.ds(base, _L)], mask=msk)
                plsc.store_compressed(dd_v.at[pl.ds(cur2, _L)],
                                      rd[pl.ds(base, _L)], mask=msk)
                pc = plsc.all_reduce_population_count(msk)
                return cur2 + pc[0]
            return lax.fori_loop(0, _CAP16, slot, cur)
        cursor = lax.fori_loop(0, _NW, region, jnp.int32(0))

        nb = jnp.minimum(n_nodes - wid * _NPB, _NPB)
        for s in range((_NPB + _L - 1) // _L):
            lanes = s * _L + ei
            msk = lanes < nb
            vec = wid * _NPB + lanes
            cursor = jnp.minimum(cursor, _CAPB - _L)
            plsc.store_compressed(ds_v.at[pl.ds(cursor, _L)], vec, mask=msk)
            plsc.store_compressed(dd_v.at[pl.ds(cursor, _L)], vec, mask=msk)
            pc = plsc.all_reduce_population_count(msk)
            cursor = cursor + pc[0]

        nt_v[pl.ds(0, _L)] = jnp.broadcast_to(cursor, (_L,))
        pltpu.sync_copy(ds_v, dsrc_h.at[pl.ds(wid * _CAPB, _CAPB)])
        pltpu.sync_copy(dd_v, ddst_h.at[pl.ds(wid * _CAPB, _CAPB)])
        pltpu.sync_copy(nt_v, ntot_h.at[pl.ds(wid * _L, _L)])

    return k(ssrc, sdst, counts)



_NBUF = 2
_NIDX = 3
_UNROLL = 6


@functools.partial(jax.jit, static_argnames=("heads",))
def _sc_edge_pass(hext, adst_tab, dsrc, ddst, ntot, *, heads):
    out_ch = 128 // heads

    @functools.partial(
        pl.kernel,
        out_type=jax.ShapeDtypeStruct((_NW * _NPB * _ROWW,), jnp.float32),
        mesh=plsc.VectorSubcoreMesh(**_MESH),
        compiler_params=_SC_PARAMS,
        scratch_types=[
            [pltpu.VMEM((_CH,), jnp.int32)] * _NIDX,
            [pltpu.VMEM((_CH,), jnp.int32)] * _NIDX,
            [pltpu.VMEM((_CH, _ROWW), jnp.float32)] * _NBUF,
            [pltpu.VMEM((_CH, 16), jnp.float32)] * _NBUF,
            pltpu.VMEM((_NPB * _ROWW,), jnp.float32),
            pltpu.VMEM((_L,), jnp.int32),
            [pltpu.SemaphoreType.DMA] * _NBUF,
            [pltpu.SemaphoreType.DMA] * _NIDX,
        ],
    )
    def k(hext_h, adst_h, dsrc_h, ddst_h, ntot_h, out_h,
          srcidx, gdstidx, rows_v, adst_v, acc, nsm, gsem, isem):
        cid = lax.axis_index("c")
        sid = lax.axis_index("s")
        wid = sid * _NC + cid
        ei = lax.iota(jnp.int32, _L)
        ebase = wid * _CAPB

        pltpu.sync_copy(ntot_h.at[pl.ds(wid * _L, _L)], nsm)
        n_real = nsm[pl.ds(0, _L)][0]
        nch = (n_real + _CH - 1) // _CH

        def zacc(i, _):
            acc[pl.ds(i * _L, _L)] = jnp.zeros((_L,), jnp.float32)
            return 0
        lax.fori_loop(0, _NPB * _ROWW // _L, zacc, 0)

        def issue_idx(g, q):
            pltpu.async_copy(dsrc_h.at[pl.ds(ebase + g * _CH, _CH)],
                             srcidx[q], isem[q])
            pltpu.async_copy(ddst_h.at[pl.ds(ebase + g * _CH, _CH)],
                             gdstidx[q], isem[q])

        def wait_idx(q):
            pltpu.make_async_copy(dsrc_h.at[pl.ds(0, _CH)], srcidx[q], isem[q]).wait()
            pltpu.make_async_copy(dsrc_h.at[pl.ds(0, _CH)], gdstidx[q], isem[q]).wait()

        def issue_gather(b, q):
            pltpu.async_copy(hext_h.at[srcidx[q]], rows_v[b], gsem[b])
            pltpu.async_copy(adst_h.at[gdstidx[q]], adst_v[b], gsem[b])

        def wait_gather(b):
            pltpu.make_async_copy(hext_h.at[pl.ds(0, _CH)], rows_v[b], gsem[b]).wait()
            pltpu.make_async_copy(adst_h.at[pl.ds(0, _CH)], adst_v[b], gsem[b]).wait()

        def compute(g, b, q):
            base = g * _CH
            rv = rows_v[b]
            av = adst_v[b]
            gq = gdstidx[q]

            def escale(p, _):
                ws = []
                idxs = []
                for ee in range(8):
                    e = 8 * p + ee
                    efull = jnp.full((_L,), e, jnp.int32)
                    a_s = rv[e, pl.ds(128, _L)]
                    a_d = av[e, pl.ds(0, _L)]
                    t = a_s + a_d
                    t = jnp.where(t >= 0, t, 0.2 * t)
                    valid = (base + e) < n_real
                    w16 = jnp.where((ei < heads) & valid, jnp.exp(t), 0.0)
                    ldb = plsc.load_gather(gq, [efull]) - wid * _NPB
                    ws.append(w16)
                    idxs.append(ldb * _ROWW + ei)
                for j in range(8):
                    hj = (j * 16) // out_ch
                    hjf = jnp.full((_L,), hj, jnp.int32)
                    for ee in range(8):
                        e = 8 * p + ee
                        wb = ws[ee].at[hjf].get(mode="promise_in_bounds")
                        plsc.addupdate_scatter(
                            acc, [idxs[ee] + j * 16],
                            rv[e, pl.ds(j * 16, 16)] * wb)
                for ee in range(8):
                    plsc.addupdate_scatter(acc, [idxs[ee] + 128], ws[ee])
                return 0
            lax.fori_loop(0, _CH // 8, escale, 0)

        issue_idx(0, 0)
        issue_idx(1, 1)
        wait_idx(0)
        issue_gather(0, 0)

        def trip(t, _):
            for kk in range(_UNROLL):
                g = _UNROLL * t + kk
                b = kk % _NBUF
                bn = (kk + 1) % _NBUF
                qn = (kk + 1) % _NIDX
                qnn = (kk + 2) % _NIDX

                @pl.when(g < nch)
                def _():
                    @pl.when(g + 1 < nch)
                    def _():
                        wait_idx(qn)
                        issue_gather(bn, qn)

                    @pl.when(g + 2 < nch)
                    def _():
                        issue_idx(g + 2, qnn)
                    wait_gather(b)
                    compute(g, b, kk % _NIDX)
            return 0
        lax.fori_loop(0, (nch + _UNROLL - 1) // _UNROLL, trip, 0)

        pltpu.sync_copy(acc, out_h.at[pl.ds(wid * _NPB * _ROWW, _NPB * _ROWW)])

    return k(hext, adst_tab, dsrc, ddst, ntot).reshape(_NW * _NPB, _ROWW)



def _fold_weights(W, att_src, att_dst, heads, out_ch):
    w3 = W.reshape(W.shape[0], heads, out_ch)
    wsrc = jnp.sum(w3 * att_src, axis=-1)
    wdst = jnp.sum(w3 * att_dst, axis=-1)
    pad = jnp.zeros((W.shape[0], 16 - heads), jnp.float32)
    wext = jnp.concatenate([W, wsrc, pad], axis=1)
    wdst16 = jnp.concatenate([wdst, pad], axis=1)
    return wext, wdst16


def _rep_matrix(heads):
    out_ch = 128 // heads
    rep = jnp.zeros((16, 128), jnp.float32)
    hc = jnp.arange(128) // out_ch
    rep = rep.at[hc, jnp.arange(128)].set(1.0)
    return rep


def kernel(inputs, edge_index, W1, att_src1, att_dst1, bias1,
           W2, att_src2, att_dst2, bias2):
    N, D = inputs.shape
    E = edge_index.shape[1]
    assert E % (_NW * _L) == 0 and _NW * _NPB >= N

    wext1, wdst1 = _fold_weights(W1, att_src1, att_dst1, 8, 16)
    wext2, wdst2 = _fold_weights(W2, att_src2, att_dst2, 1, 128)
    rep1 = _rep_matrix(8)
    rep2 = _rep_matrix(1)
    b1 = bias1.reshape(1, 128)
    b2 = bias2.reshape(1, 128)

    ssrc, sdst, counts = _sc_bucket_stage(edge_index[0], edge_index[1])
    dsrc, ddst, ntot = _sc_compact(ssrc, sdst, counts, n_nodes=N)

    hext1, adst1 = _tc_project(inputs, wext1, wdst1)
    acc1 = _sc_edge_pass(hext1, adst1, dsrc, ddst, ntot, heads=8)
    hext2, adst2 = _tc_epilogue_project(acc1[:N], rep1, b1, wext2, wdst2)
    acc2 = _sc_edge_pass(hext2, adst2, dsrc, ddst, ntot, heads=1)
    return _tc_epilogue_final(acc2[:N], rep2, b2)

# --- scband reference (transcript-rebuilt; emitter-appended) ---
"""Pipeline reference for scband-gatmodel-59227599011869 (READ-ONLY COPY).

The authoritative reference and input builder live on the scoring server;
editing this copy changes nothing except your own understanding.
"""

import jax, jax.numpy as jnp
import numpy as np


def gat_conv(x, src, dst, W, att_src, att_dst, bias, heads, out_ch, concat, N):
    # linear projection -> [N, heads, out_ch]
    h = (x @ W).reshape(N, heads, out_ch)
    # per-node attention logits
    a_src = jnp.sum(h * att_src, axis=-1)  # [N, heads]
    a_dst = jnp.sum(h * att_dst, axis=-1)  # [N, heads]
    # per-edge attention (gather)
    alpha = a_src[src] + a_dst[dst]        # [E, heads]
    alpha = jax.nn.leaky_relu(alpha, negative_slope=0.2)
    # segment softmax over edges grouped by destination node
    amax = jax.ops.segment_max(alpha, dst, num_segments=N)
    alpha = jnp.exp(alpha - amax[dst])
    asum = jax.ops.segment_sum(alpha, dst, num_segments=N)
    alpha = alpha / (asum[dst] + 1e-16)
    # weighted message aggregation (gather + scatter-add)
    out = jax.ops.segment_sum(h[src] * alpha[:, :, None], dst, num_segments=N)
    if concat:
        out = out.reshape(N, heads * out_ch)
    else:
        out = jnp.mean(out, axis=1)
    return out + bias


def setup_inputs(seed: int = 0):
    key = jax.random.key(seed)
    ks = jax.random.split(key, 10)
    N, E, D = 10000, 320000, 128
    inputs = jax.random.normal(ks[0], (N, D), dtype=jnp.float32)
    edge_index = jax.random.randint(ks[1], (2, E), 0, N, dtype=jnp.int32)
    # conv1: in=128, out=16, heads=8, concat -> 128
    W1 = jax.random.normal(ks[2], (D, 8 * 16), dtype=jnp.float32) * 0.1
    att_src1 = jax.random.normal(ks[3], (1, 8, 16), dtype=jnp.float32) * 0.1
    att_dst1 = jax.random.normal(ks[4], (1, 8, 16), dtype=jnp.float32) * 0.1
    bias1 = jnp.zeros((128,), dtype=jnp.float32)
    # conv2: in=128, out=128, heads=1, mean (concat=False)
    W2 = jax.random.normal(ks[5], (128, 1 * 128), dtype=jnp.float32) * 0.1
    att_src2 = jax.random.normal(ks[6], (1, 1, 128), dtype=jnp.float32) * 0.1
    att_dst2 = jax.random.normal(ks[7], (1, 1, 128), dtype=jnp.float32) * 0.1
    bias2 = jnp.zeros((128,), dtype=jnp.float32)
    return {"inputs": inputs, "edge_index": edge_index, "W1": W1, "att_src1": att_src1,
            "att_dst1": att_dst1, "bias1": bias1, "W2": W2, "att_src2": att_src2,
            "att_dst2": att_dst2, "bias2": bias2}


def reference(inputs, edge_index, W1, att_src1, att_dst1, bias1, W2, att_src2, att_dst2, bias2):
    N = inputs.shape[0]
    # add self loops (PyG add_self_loops=True)
    loop = jnp.arange(N, dtype=edge_index.dtype)
    src = jnp.concatenate([edge_index[0], loop])
    dst = jnp.concatenate([edge_index[1], loop])
    x = gat_conv(inputs, src, dst, W1, att_src1, att_dst1, bias1, 8, 16, True, N)
    x = jax.nn.elu(x)
    x = gat_conv(x, src, dst, W2, att_src2, att_dst2, bias2, 1, 128, False, N)
    x = jax.nn.elu(x)
    return x

if __name__ == "__main__":
    import jax
    _d = setup_inputs()
    print(jax.jit(kernel)(*tuple(_d.values())))

</pallas_src>

<mosaic_0001>
#map = affine_map<(d0, d1) -> (0)>
module attributes {stable_mosaic.version = 14 : i64} {
  func.func @k(%arg0: i32, %arg1: i32, %arg2: memref<320000xi32, #tpu.memory_space<hbm>>, %arg3: memref<320000xi32, #tpu.memory_space<hbm>>, %arg4: memref<917504xi32, #tpu.memory_space<hbm>>, %arg5: memref<917504xi32, #tpu.memory_space<hbm>>, %arg6: memref<16384xi32, #tpu.memory_space<hbm>>, %arg7: memref<10000xi32, #tpu.memory_space<vmem>>, %arg8: memref<10000xi32, #tpu.memory_space<vmem>>, %arg9: memref<28672xi32, #tpu.memory_space<vmem>>, %arg10: memref<28672xi32, #tpu.memory_space<vmem>>, %arg11: memref<512xi32, #tpu.memory_space<vmem>>) attributes {dimension_semantics = [#tpu.dimension_semantics<core_parallel>, #tpu.dimension_semantics<subcore_parallel>], iteration_bounds = array<i64: 2, 16>, scalar_prefetch = 0 : i64, scratch_operands = 5 : i64, tpu.core_type = #tpu.core_type<sc_vector_subcore>, window_params = [{transform_indices = #map}, {transform_indices = #map}, {transform_indices = #map}, {transform_indices = #map}, {transform_indices = #map}]} {
    %mul3A = arith.constant 2 : i32
    %mul3A_0 = arith.muli %arg1, %mul3A : i32
    %add3A = arith.addi %mul3A_0, %arg0 : i32
    %iota3A = tpu.iota {dimensions = array<i32: 0>} : vector<16xi32>
    %mul3A_1 = arith.constant 10000 : i32
    %mul3A_2 = arith.muli %add3A, %mul3A_1 : i32
    "tpu.region"() ({
      %run_scoped3A = tpu.sem_alloc : memref<!tpu.dma_semaphore, #tpu.memory_space<semaphore_mem>>
      %dma_start3A = tpu.memref_slice %arg2[%mul3A_2] : memref<320000xi32, #tpu.memory_space<hbm>> -> memref<10000xi32, #tpu.memory_space<hbm>>
      %dma_start3A_30 = tpu.memref_slice %arg2[%mul3A_2] : memref<320000xi32, #tpu.memory_space<hbm>> -> memref<10000xi32, #tpu.memory_space<hbm>>
      tpu.enqueue_dma source(%dma_start3A_30 : memref<10000xi32, #tpu.memory_space<hbm>>) target(%arg7 : memref<10000xi32, #tpu.memory_space<vmem>>) target_semaphore(%run_scoped3A : memref<!tpu.dma_semaphore, #tpu.memory_space<semaphore_mem>>)
      %dma_wait3A = tpu.memref_slice %arg2[%mul3A_2] : memref<320000xi32, #tpu.memory_space<hbm>> -> memref<10000xi32, #tpu.memory_space<hbm>>
      %dma_wait3A_31 = tpu.memref_slice %arg2[%mul3A_2] : memref<320000xi32, #tpu.memory_space<hbm>> -> memref<10000xi32, #tpu.memory_space<hbm>>
      tpu.wait_dma2 semaphore(%run_scoped3A : memref<!tpu.dma_semaphore, #tpu.memory_space<semaphore_mem>>) src(%dma_wait3A_31 : memref<10000xi32, #tpu.memory_space<hbm>>) dst(%arg7 : memref<10000xi32, #tpu.memory_space<vmem>>)
      tpu.yield
    }) : () -> ()
    %mul3A_3 = arith.constant 10000 : i32
    %mul3A_4 = arith.muli %add3A, %mul3A_3 : i32
    "tpu.region"() ({
      %run_scoped3A = tpu.sem_alloc : memref<!tpu.dma_semaphore, #tpu.memory_space<semaphore_mem>>
      %dma_start3A = tpu.memref_slice %arg3[%mul3A_4] : memref<320000xi32, #tpu.memory_space<hbm>> -> memref<10000xi32, #tpu.memory_space<hbm>>
      %dma_start3A_30 = tpu.memref_slice %arg3[%mul3A_4] : memref<320000xi32, #tpu.memory_space<hbm>> -> memref<10000xi32, #tpu.memory_space<hbm>>
      tpu.enqueue_dma source(%dma_start3A_30 : memref<10000xi32, #tpu.memory_space<hbm>>) target(%arg8 : memref<10000xi32, #tpu.memory_space<vmem>>) target_semaphore(%run_scoped3A : memref<!tpu.dma_semaphore, #tpu.memory_space<semaphore_mem>>)
      %dma_wait3A = tpu.memref_slice %arg3[%mul3A_4] : memref<320000xi32, #tpu.memory_space<hbm>> -> memref<10000xi32, #tpu.memory_space<hbm>>
      %dma_wait3A_31 = tpu.memref_slice %arg3[%mul3A_4] : memref<320000xi32, #tpu.memory_space<hbm>> -> memref<10000xi32, #tpu.memory_space<hbm>>
      tpu.wait_dma2 semaphore(%run_scoped3A : memref<!tpu.dma_semaphore, #tpu.memory_space<semaphore_mem>>) src(%dma_wait3A_31 : memref<10000xi32, #tpu.memory_space<hbm>>) dst(%arg8 : memref<10000xi32, #tpu.memory_space<vmem>>)
      tpu.yield
    }) : () -> ()
    %scan3A = arith.constant 0 : i32
    %scan3A_5 = arith.constant 0 : i32
    %scan3A_6 = arith.constant 32 : i32
    %scan3A_7 = arith.addi %scan3A_5, %scan3A_6 : i32
    %scan3A_8 = arith.constant 1 : i32
    %scan3A_9 = scf.for %scan3A_30 = %scan3A_5 to %scan3A_7 step %scan3A_8 iter_args(%scan3A_31 = %scan3A) -> (i32)  : i32 {
      %broadcast_in_dim3A = arith.constant 0 : i32
      %broadcast_in_dim3A_32 = vector.broadcast %broadcast_in_dim3A : i32 to vector<16xi32>
      %mul3A_33 = arith.constant 16 : i32
      %mul3A_34 = arith.muli %scan3A_30, %mul3A_33 : i32
      %swap3A = arith.index_cast %mul3A_34 : i32 to index
      %swap3A_35 = tpu.vector_load %arg11[%swap3A] {strides = array<i32>} : memref<512xi32, #tpu.memory_space<vmem>>, vector<16xi32>,
      tpu.vector_store %arg11[%swap3A], %broadcast_in_dim3A_32 {strides = array<i32>} : memref<512xi32, #tpu.memory_space<vmem>>, vector<16xi32>,
      %scan3A_36 = arith.constant 0 : i32
      scf.yield %scan3A_36 : i32
    }
    %scan3A_10 = arith.constant 32 : i32
    %scan3A_11 = arith.constant 0 : i32
    %scan3A_12 = arith.constant 0 : i32
    %scan3A_13 = arith.constant 625 : i32
    %scan3A_14 = arith.addi %scan3A_12, %scan3A_13 : i32
    %scan3A_15 = arith.constant 1 : i32
    %scan3A_16 = scf.for %scan3A_30 = %scan3A_12 to %scan3A_14 step %scan3A_15 iter_args(%scan3A_31 = %scan3A_11) -> (i32)  : i32 {
      %mul3A_32 = arith.constant 16 : i32
      %mul3A_33 = arith.muli %scan3A_30, %mul3A_32 : i32
      %get3A = arith.index_cast %mul3A_33 : i32 to index
      %get3A_34 = tpu.vector_load %arg7[%get3A] {strides = array<i32>} : memref<10000xi32, #tpu.memory_space<vmem>>, vector<16xi32>,
      %mul3A_35 = arith.constant 16 : i32
      %mul3A_36 = arith.muli %scan3A_30, %mul3A_35 : i32
      %get3A_37 = arith.index_cast %mul3A_36 : i32 to index
      %get3A_38 = tpu.vector_load %arg8[%get3A_37] {strides = array<i32>} : memref<10000xi32, #tpu.memory_space<vmem>>, vector<16xi32>,
      %mul3A_39 = arith.constant 214406 : i32
      %mul3A_40 = vector.broadcast %mul3A_39 : i32 to vector<16xi32>
      %mul3A_41 = arith.muli %get3A_38, %mul3A_40 : vector<16xi32>
      %shift_right_arithmetic3A = arith.constant 26 : i32
      %shift_right_arithmetic3A_42 = vector.broadcast %shift_right_arithmetic3A : i32 to vector<16xi32>
      %shift_right_arithmetic3A_43 = arith.shrsi %mul3A_41, %shift_right_arithmetic3A_42 : vector<16xi32>
      %mul3A_44 = arith.constant 16 : i32
      %mul3A_45 = vector.broadcast %mul3A_44 : i32 to vector<16xi32>
      %mul3A_46 = arith.muli %shift_right_arithmetic3A_43, %mul3A_45 : vector<16xi32>
      %add3A_47 = arith.addi %mul3A_46, %iota3A : vector<16xi32>
      %gather3A = tpu.vector_load_idx %arg11[%add3A_47] : memref<512xi32, #tpu.memory_space<vmem>>[vector<16xi32>], vector<16xi32>,
      %add3A_48 = arith.constant 1 : i32
      %add3A_49 = vector.broadcast %add3A_48 : i32 to vector<16xi32>
      %add3A_50 = arith.addi %gather3A, %add3A_49 : vector<16xi32>
      tpu.vector_store_idx %arg11[%add3A_47], %add3A_50 : memref<512xi32, #tpu.memory_space<vmem>>[vector<16xi32>], vector<16xi32>,
      %min3A = arith.constant 55 : i32
      %min3A_51 = vector.broadcast %min3A : i32 to vector<16xi32>
      %min3A_52 = arith.minsi %gather3A, %min3A_51 : vector<16xi32>
      %mul3A_53 = arith.constant 896 : i32
      %mul3A_54 = vector.broadcast %mul3A_53 : i32 to vector<16xi32>
      %mul3A_55 = arith.muli %shift_right_arithmetic3A_43, %mul3A_54 : vector<16xi32>
      %mul3A_56 = arith.constant 16 : i32
      %mul3A_57 = vector.broadcast %mul3A_56 : i32 to vector<16xi32>
      %mul3A_58 = arith.muli %min3A_52, %mul3A_57 : vector<16xi32>
      %add3A_59 = arith.addi %mul3A_55, %mul3A_58 : vector<16xi32>
      %add3A_60 = arith.addi %add3A_59, %iota3A : vector<16xi32>
      tpu.vector_store_idx %arg9[%add3A_60], %get3A_34 : memref<28672xi32, #tpu.memory_space<vmem>>[vector<16xi32>], vector<16xi32>,
      tpu.vector_store_idx %arg10[%add3A_60], %get3A_38 : memref<28672xi32, #tpu.memory_space<vmem>>[vector<16xi32>], vector<16xi32>,
      %scan3A_61 = arith.constant 0 : i32
      scf.yield %scan3A_61 : i32
    }
    %scan3A_17 = arith.constant 625 : i32
    %mul3A_18 = arith.constant 32 : i32
    %mul3A_19 = arith.muli %add3A, %mul3A_18 : i32
    %mul3A_20 = arith.constant 896 : i32
    %mul3A_21 = arith.muli %mul3A_19, %mul3A_20 : i32
    "tpu.region"() ({
      %run_scoped3A = tpu.sem_alloc : memref<!tpu.dma_semaphore, #tpu.memory_space<semaphore_mem>>
      %dma_start3A = tpu.memref_slice %arg4[%mul3A_21] : memref<917504xi32, #tpu.memory_space<hbm>> -> memref<28672xi32, #tpu.memory_space<hbm>>
      %dma_start3A_30 = tpu.memref_slice %arg4[%mul3A_21] : memref<917504xi32, #tpu.memory_space<hbm>> -> memref<28672xi32, #tpu.memory_space<hbm>>
      tpu.enqueue_dma source(%arg9 : memref<28672xi32, #tpu.memory_space<vmem>>) target(%dma_start3A_30 : memref<28672xi32, #tpu.memory_space<hbm>>) target_semaphore(%run_scoped3A : memref<!tpu.dma_semaphore, #tpu.memory_space<semaphore_mem>>)
      %dma_wait3A = tpu.memref_slice %arg4[%mul3A_21] : memref<917504xi32, #tpu.memory_space<hbm>> -> memref<28672xi32, #tpu.memory_space<hbm>>
      %dma_wait3A_31 = tpu.memref_slice %arg4[%mul3A_21] : memref<917504xi32, #tpu.memory_space<hbm>> -> memref<28672xi32, #tpu.memory_space<hbm>>
      tpu.wait_dma2 semaphore(%run_scoped3A : memref<!tpu.dma_semaphore, #tpu.memory_space<semaphore_mem>>) src(%arg9 : memref<28672xi32, #tpu.memory_space<vmem>>) dst(%dma_wait3A_31 : memref<28672xi32, #tpu.memory_space<hbm>>)
      tpu.yield
    }) : () -> ()
    %mul3A_22 = arith.constant 32 : i32
    %mul3A_23 = arith.muli %add3A, %mul3A_22 : i32
    %mul3A_24 = arith.constant 896 : i32
    %mul3A_25 = arith.muli %mul3A_23, %mul3A_24 : i32
    "tpu.region"() ({
      %run_scoped3A = tpu.sem_alloc : memref<!tpu.dma_semaphore, #tpu.memory_space<semaphore_mem>>
      %dma_start3A = tpu.memref_slice %arg5[%mul3A_25] : memref<917504xi32, #tpu.memory_space<hbm>> -> memref<28672xi32, #tpu.memory_space<hbm>>
      %dma_start3A_30 = tpu.memref_slice %arg5[%mul3A_25] : memref<917504xi32, #tpu.memory_space<hbm>> -> memref<28672xi32, #tpu.memory_space<hbm>>
      tpu.enqueue_dma source(%arg10 : memref<28672xi32, #tpu.memory_space<vmem>>) target(%dma_start3A_30 : memref<28672xi32, #tpu.memory_space<hbm>>) target_semaphore(%run_scoped3A : memref<!tpu.dma_semaphore, #tpu.memory_space<semaphore_mem>>)
      %dma_wait3A = tpu.memref_slice %arg5[%mul3A_25] : memref<917504xi32, #tpu.memory_space<hbm>> -> memref<28672xi32, #tpu.memory_space<hbm>>
      %dma_wait3A_31 = tpu.memref_slice %arg5[%mul3A_25] : memref<917504xi32, #tpu.memory_space<hbm>> -> memref<28672xi32, #tpu.memory_space<hbm>>
      tpu.wait_dma2 semaphore(%run_scoped3A : memref<!tpu.dma_semaphore, #tpu.memory_space<semaphore_mem>>) src(%arg10 : memref<28672xi32, #tpu.memory_space<vmem>>) dst(%dma_wait3A_31 : memref<28672xi32, #tpu.memory_space<hbm>>)
      tpu.yield
    }) : () -> ()
    %mul3A_26 = arith.constant 32 : i32
    %mul3A_27 = arith.muli %add3A, %mul3A_26 : i32
    %mul3A_28 = arith.constant 16 : i32
    %mul3A_29 = arith.muli %mul3A_27, %mul3A_28 : i32
    "tpu.region"() ({
      %run_scoped3A = tpu.sem_alloc : memref<!tpu.dma_semaphore, #tpu.memory_space<semaphore_mem>>
      %dma_start3A = tpu.memref_slice %arg6[%mul3A_29] : memref<16384xi32, #tpu.memory_space<hbm>> -> memref<512xi32, #tpu.memory_space<hbm>>
      %dma_start3A_30 = tpu.memref_slice %arg6[%mul3A_29] : memref<16384xi32, #tpu.memory_space<hbm>> -> memref<512xi32, #tpu.memory_space<hbm>>
      tpu.enqueue_dma source(%arg11 : memref<512xi32, #tpu.memory_space<vmem>>) target(%dma_start3A_30 : memref<512xi32, #tpu.memory_space<hbm>>) target_semaphore(%run_scoped3A : memref<!tpu.dma_semaphore, #tpu.memory_space<semaphore_mem>>)
      %dma_wait3A = tpu.memref_slice %arg6[%mul3A_29] : memref<16384xi32, #tpu.memory_space<hbm>> -> memref<512xi32, #tpu.memory_space<hbm>>
      %dma_wait3A_31 = tpu.memref_slice %arg6[%mul3A_29] : memref<16384xi32, #tpu.memory_space<hbm>> -> memref<512xi32, #tpu.memory_space<hbm>>
      tpu.wait_dma2 semaphore(%run_scoped3A : memref<!tpu.dma_semaphore, #tpu.memory_space<semaphore_mem>>) src(%arg11 : memref<512xi32, #tpu.memory_space<vmem>>) dst(%dma_wait3A_31 : memref<512xi32, #tpu.memory_space<hbm>>)
      tpu.yield
    }) : () -> ()
    return
  }
}

</mosaic_0001>

<sc_bundles>
// kernel: _sc_bucket_stage.3.cloned.1.call-start
scs
__scs_entry_jumppad:
0x0: {  	(pc) =	sbr.rel $0x88, $3  }
0x1: {  	(tag) =	ssettag $0x0;
	lr =	simm.s32 $0x1  }
0x2: {  	[smem:$0x3F9F] =	sst lr;
	_ =	strace $0xD0000000  }
0x3: {  	_ = 	snop  }
0x4: {  	_ = 	snop  }
0x5: {  	_ = 	snop  }
0x6: {  	_ = 	snop  }
0x7: {  	_ = 	snop  }
__scs_overlays_trampoline_lowered:
0x8: {  	[smem:$0x3FAE] =	sst s0  }
0x9: {  	[smem:$0x3FAF] =	sst s1  }
0xa: {  	[smem:$0x3FB0] =	sst s2  }
0xb: {  	[smem:$0x3FB1] =	sst s3  }
0xc: {  	[smem:$0x3FB2] =	sst s4  }
0xd: {  	[smem:$0x3FB3] =	sst s5  }
0xe: {  	[smem:$0x3FB4] =	sst s6  }
0xf: {  	[smem:$0x3FB5] =	sst s7  }
0x10: {  	[smem:$0x3FB6] =	sst s8  }
0x11: {  	[smem:$0x3FB7] =	sst s9;
	s0 =	simm.s32 @!p0 $0x0  }
0x12: {  	s1 =	sld [smem:$0x3F9D];
	s0 =	simm.s32 @p0 $0x1  }
0x13: {  	[smem:$0x3FB8] =	sst s0;
	s0 =	simm.s32 @!p1 $0x0  }
0x14: {  	s2 =	sld [smem:$0x3F9C];
	s0 =	simm.s32 @p1 $0x1  }
0x15: {  	[smem:$0x3FB9] =	sst s0;
	s0 =	simm.s32 @!p2 $0x0  }
0x16: {  	s3 =	sld [smem:$0x3FDB];
	s0 =	simm.s32 @p2 $0x1  }
0x17: {  	s4 =	simm.s32 $0x1BF5;
	[smem:$0x3FBB] =	sst s0  }
0x18: {  	s0 =	sld [smem:$0x3F9E];
	_ =	swait.ge [sflag:s4], $0x0  }
0x19: {  	s7 =	sld [smem:$0x3F9F]  }
0x1a: {  	s8 =	sadd.s32 $0xFFFFE003, lr  }
0x1b: {  	s9 =	sadd.s32 $0xFFFFFEF7, lr;
	s5 =	simm.s32 $0xFFFFFFFF;
	p2 =	slt.u32 s8, $0xFFFFF086  }
0x1c: {  	p1 =	slt.u32 s9, $0xF7A;
	s5 =	simm.s32 @!p2 $0x0  }
0x1d: {  	s5 =	simm.s32 @p1 $0x1;
	p0 =	seq.s32 s7, s2  }
0x1e: {  	s7 =	smul.u32 @!p0 $0xF7A, s2;
	p2 =	seq.s32 @!p0 s5, $0x0  }
0x1f: {  	s9 =	smul.u32 $0xF7A, s1;
	s8 =	simm.s32 @!p0 $0x1BF5;
	p2 =	por !p2, p0  }
0x20: {  	[sflag:s8] =	ssyncset.s32 @!p0 $0xFFFFF086;
	s6 =	sadd.s32 @!p0 s3, s7;
	s7 =	simm.s32 @!p0 $0x108  }
0x21: {  	s3 =	sadd.s32 s3, s9;
	s6 =	sadd.s32 @!p0 $0x88, s6;
	s7 =	simm.s32 @p2 $0x1082  }
0x22: {  	[simem:s7], [sflag:s8] =	dma.local @!p0 [hbm:s6], $0xF7A  }
0x23: {  	s9 =	sor.u32 $0xD0000000, s2;
	s6 =	simm.s32 $0x108;
	_ =	swait.ge @!p0 [sflag:s8], $0x0  }
0x24: {  	s3 =	sadd.s32 $0x88, s3;
	s6 =	simm.s32 @!p1 $0x1082;
	[sflag:s4] =	ssyncset.s32 $0xFFFFF086  }
0x25: {  	[simem:s6], [sflag:s4] =	dma.local [hbm:s3], $0xF7A  }
0x26: {  	[smem:$0x3F9F] =	sst s1;
	(tag) =	ssettag s2;
	_ =	strace s9  }
0x27: {  	s1 =	sld [smem:$0x3FAF]  }
0x28: {  	s2 =	sld [smem:$0x3FB0]  }
0x29: {  	s4 =	sld [smem:$0x3FB2]  }
0x2a: {  	p0 =	seq.s32 s5, $0x0;
	s5 =	sld [smem:$0x3FB3]  }
0x2b: {  	s6 =	sld [smem:$0x3FB4]  }
0x2c: {  	s7 =	sld [smem:$0x3FB5]  }
0x2d: {  	s3 =	simm.s32 $0x108;
	s8 =	sld [smem:$0x3FB6]  }
0x2e: {  	s3 =	simm.s32 @!p0 $0x1082;
	s9 =	sld [smem:$0x3FB7]  }
0x2f: {  	lr =	sadd.s32 s0, s3;
	s0 =	sld [smem:$0x3FAE]  }
0x30: {  	s3 =	sld [smem:$0x3FB1]  }
0x31: {  	[smem:$0x3FBA] =	sst s10  }
0x32: {  	s10 =	sld [smem:$0x3FB8];
	_ =	sdelay $0x3  }
0x33: {  	p0 =	seq.s32 s10, $0x1;
	s10 =	sld [smem:$0x3FBA];
	_ =	sdelay $0x3  }
0x34: {  	[smem:$0x3FBA] =	sst s10  }
0x35: {  	s10 =	sld [smem:$0x3FB9];
	_ =	sdelay $0x3  }
0x36: {  	p1 =	seq.s32 s10, $0x1;
	s10 =	sld [smem:$0x3FBA];
	_ =	sdelay $0x3  }
0x37: {  	[smem:$0x3FBA] =	sst s10  }
0x38: {  	s10 =	sld [smem:$0x3FBB]  }
0x39: {  	_ = 	snop;
	(pc) =	sbr.ind lr, $3  }
0x3a: {  	_ = 	snop  }
0x3b: {  	_ = 	snop  }
0x3c: {  	p2 =	seq.s32 s10, $0x1;
	s10 =	sld [smem:$0x3FBA]  }
0x3d: {  	_ =	shalt  }
0x3e: {  	_ =	shalt  }
0x3f: {  	_ =	shalt  }
0x40: {  	_ =	shalt  }
0x41: {  	_ =	shalt  }
0x42: {  	_ =	shalt  }
0x43: {  	_ =	shalt  }
0x44: {  	_ =	shalt  }
0x45: {  	_ =	shalt  }
0x46: {  	_ =	shalt  }
0x47: {  	_ =	shalt  }
0x48: {  	_ =	shalt  }
0x49: {  	_ =	shalt  }
0x4a: {  	_ =	shalt  }
0x4b: {  	_ =	shalt  }
0x4c: {  	_ =	shalt  }
0x4d: {  	_ =	shalt  }
0x4e: {  	_ =	shalt  }
0x4f: {  	_ =	shalt  }
0x50: {  	_ =	shalt  }
0x51: {  	_ =	shalt  }
0x52: {  	_ =	shalt  }
0x53: {  	_ =	shalt  }
0x54: {  	_ =	shalt  }
0x55: {  	_ =	shalt  }
0x56: {  	_ =	shalt  }
0x57: {  	_ =	shalt  }
0x58: {  	_ =	shalt  }
0x59: {  	_ =	shalt  }
0x5a: {  	_ =	shalt  }
0x5b: {  	_ =	shalt  }
0x5c: {  	_ =	shalt  }
0x5d: {  	_ =	shalt  }
0x5e: {  	_ =	shalt  }
0x5f: {  	_ =	shalt  }
0x60: {  	_ =	shalt  }
0x61: {  	_ =	shalt  }
0x62: {  	_ =	shalt  }
0x63: {  	_ =	shalt  }
0x64: {  	_ =	shalt  }
0x65: {  	_ =	shalt  }
0x66: {  	_ =	shalt  }
0x67: {  	_ =	shalt  }
0x68: {  	_ =	shalt  }
0x69: {  	_ =	shalt  }
0x6a: {  	_ =	shalt  }
0x6b: {  	_ =	shalt  }
0x6c: {  	_ =	shalt  }
0x6d: {  	_ =	shalt  }
0x6e: {  	_ =	shalt  }
0x6f: {  	_ =	shalt  }
0x70: {  	_ =	shalt  }
0x71: {  	_ =	shalt  }
0x72: {  	_ =	shalt  }
0x73: {  	_ =	shalt  }
0x74: {  	_ =	shalt  }
0x75: {  	_ =	shalt  }
0x76: {  	_ =	shalt  }
0x77: {  	_ =	shalt  }
0x78: {  	_ =	shalt  }
0x79: {  	_ =	shalt  }
0x7a: {  	_ =	shalt  }
0x7b: {  	_ =	shalt  }
0x7c: {  	_ =	shalt  }
0x7d: {  	_ =	shalt  }
0x7e: {  	_ =	shalt  }
0x7f: {  	_ =	shalt  }
0x80: {  	_ =	shalt  }
0x81: {  	_ =	shalt  }
0x82: {  	_ =	shalt  }
0x83: {  	_ =	shalt  }
0x84: {  	_ =	shalt  }
0x85: {  	_ =	shalt  }
0x86: {  	_ =	shalt  }
0x87: {  	_ =	shalt  }
.Lfunc_end0:
.L_simem_size_0:
called_computation_lowered:
.L_overlay_start_0:
0x88: {  	s2 =	sld [smem:$0x3FD9]  }
0x89: {  	s3 =	sld [smem:$0x3FFE];
	_ =	sdelay $0x1  }
0x8a: {  	s1 =	srdreg.scid  }
0x8b: {  	s0 =	sand.u32 $0x1, s1  }
0x8c: {  	s15 =	sshll.u32 s0, $0xA;
	s2 =	sadd.s32 s3, s2  }
0x8d: {  	s2 =	sadd.s32 s2, s15  }
0x8e: {  	[smem:$0x3FC6] =	sst s2  }
0x8f: {  	_ = 	snop  }
0x90: {  	s2 =	sld [smem:$0x3FD0];
	_ =	sdelay $0x1  }
0x91: {  	s16 =	sld [smem:$0x3FC9]  }
0x92: {  	s5 =	simm.s32 $0xA;
	s6 =	simm.s32 $0x10;
	s4 =	sld [smem:$0x3FC8]  }
0x93: {  	[smem:s6], [sflag:s5] =	dma.local [hbm:s2], $0x1  }
0x94: {  	_ =	swait.eq [sflag:s5], $0x1  }
0x95: {  	s17 =	sld [smem:$0x10];
	[sflag:s5] =	ssyncset.done $0x0  }
0x96: {  	s18 =	sld [smem:$0x11];
	[sflag:s5] =	ssyncadd.s32 $0xFFFFFFFF  }
0x97: {  	s19 =	sld [smem:$0x12];
	(tm) =	ssettm $0x1  }
0x98: {  	s7 =	sld [smem:$0x3FFB];
	_ =	sdelay $0x3  }
0x99: {  	_ =	strace s7  }
0x9a: {  	s7 =	sld [smem:$0x3FFC];
	_ =	sdelay $0x3  }
0x9b: {  	_ =	strace s7  }
0x9c: {  	s7 =	sld [smem:$0x3FFD];
	_ =	sdelay $0x3  }
0x9d: {  	_ =	strace s7  }
0x9e: {  	_ =	strace $0x8FFFFFFF  }
0x9f: {  	s20 =	sld [smem:$0x3FDB];
	_ =	sdelay $0x1  }
0xa0: {  	s8 =	simm.s32 $_scs_section_size  }
0xa1: {  	s9 =	simm.s32 $_size__tile_overlayer_lowered;
	s10 =	simm.s32 $_tile_overlayer_lowered  }
0xa2: {  	s23 =	simm.s32 $0x1BFF;
	s22 =	sshll.u32 s10, $0x1;
	s7 =	sadd.s32 s8, s20  }
0xa3: {  	s11 =	simm.s32 $0x0;
	s21 =	sshll.u32 s9, $0x1;
	s9 =	sadd.s32 s22, s7  }
0xa4: {  	[timem:s11], [sflag:s23] =	dma.local [hbm:s9], s21  }
0xa5: {  	_ =	swait.ge [sflag:s23], s21  }
0xa6: {  	s8 =	ssub.s32 $0x0, s21;
	[sflag:s23] =	ssyncset.done $0x0  }
0xa7: {  	[sflag:s23] =	ssyncadd.s32 s8;
	_ =	sdelay $0x1  }
0xa8: {  	s24 =	simm.s32 $0x1B8B  }
0xa9: {  	_ =	swait.ge [sflag:s24], $0x1  }
0xaa: {  	[sflag:s24] =	ssyncset.done $0x0  }
0xab: {  	s25 =	simm.s32 $0x1B8E;
	[sflag:s24] =	ssyncadd.s32 $0xFFFFFFFF  }
0xac: {  	s26 =	simm.s32 $execute0_lowered;
	[smem:$0x3FD2] =	sst s25  }
0xad: {  	s8 =	sshll.u32 s26, $0x1;
	_ =	strace $0x80000046;
	[dreg:$0x1] =	wrdreg $0xFFFFFFFF  }
0xae: {  	s28 =	simm.s32 $_size_execute0_lowered;
	s7 =	sadd.s32 s7, s8;
	[dreg:$0x0] =	wrdreg $0x0  }
0xaf: {  	s8 =	sshll.u32 s28, $0x1;
	[dreg:$0x2] =	wrdreg s7  }
0xb0: {  	[dreg:$0x3] =	wrdreg s8  }
0xb1: {  	[dreg:$0x4] =	wrdreg $0xC0  }
0xb2: {  	_ =	task [dreg:s11], $0x5FFFF  }
0xb3: {  	[dreg:$0x1] =	wrdreg $0xFFFFFFFF  }
0xb4: {  	[dreg:$0x0] =	wrdreg $0x60  }
0xb5: {  	[dreg:$0x2] =	wrdreg s16  }
0xb6: {  	[dreg:$0x3] =	wrdreg s4  }
0xb7: {  	[dreg:$0x4] =	wrdreg s17  }
0xb8: {  	[dreg:$0x5] =	wrdreg s18  }
0xb9: {  	[dreg:$0x6] =	wrdreg s19  }
0xba: {  	[dreg:$0x7] =	wrdreg $0x9  }
0xbb: {  	_ =	task.clear_ibuf [dreg:s11], $0x8FFFF;
	_ =	strace $0x90000046  }
0xbc: {  	s29 =	simm.s32 $0x9;
	_ =	strace $0x80000048  }
0xbd: {  	_ =	swait.ge [sflag:s29], $0x1  }
0xbe: {  	[sflag:s29] =	ssyncadd.s32 $0xFFFFFFFF  }
0xbf: {  	_ =	strace $0x90000048  }
0xc0: {  	_ =	sfence  }
0xc1: {  	s30 =	sld [smem:$0x0];
	_ =	sdelay $0x2  }
0xc2: {  	s31 =	sshll.u32 s1, $0xD;
	s1 =	sshrl.u32 s1, $0x2  }
0xc3: {  	s3 =	sand.u32 $0x4000, s31;
	s1 =	sadd.s32 s1, s30  }
0xc4: {  	s0 =	sor.u32 s3, s0;
	s1 =	sshll.u32 s1, $0x11  }
0xc5: {  	s0 =	sor.u32 s1, s0  }
0xc6: {  	s0 =	sadd.s32 $0x8F2B, s0  }
0xc7: {  	[sflag:s0] =	ssyncadd.remote.s32 $0x1  }
0xc8: {  	_ =	sfence.sel $0xFFFF  }
0xc9: {  	[dreg:$0x0] =	wrdreg $0xFFFFFFFF;
	(pc) =	sbr.abs _section_cstart, $3  }
0xca: {  	[dreg:$0x1] =	wrdreg $0xFFFFFFFF  }
0xcb: {  	_ =	task.clear_ibuf [dreg:s11], $0x2FFFF;
	_ =	strace $0x9FFFFFFF  }
0xcc: {  	(tm) =	ssettm $0x7FFFFFFF  }
0xcd: {  	_ =	shalt  }
tec
execute0_lowered:
.L_overlay_start_1:
0x0: {  	(tag) =	ssettag $0x1  }
0x1: {  	s3 =	rddreg [dreg:$0x0]  }
0x2: {  	s4 =	rddreg [dreg:$0x1]  }
0x3: {  	s5 =	rddreg [dreg:$0x2]  }
0x4: {  	s6 =	rddreg [dreg:$0x3];
	s1 =	srdreg.scid  }
0x5: {  	s0 =	stileid.u32;
	s7 =	rddreg [dreg:$0x4];
	s13 =	simm.s32 $0xBE20  }
0x6: {  	s14 =	simm.s32 $0x0;
	s8 =	sand.u32 $0x1, s1;
	s2 =	sshll.u32 s0, $0x1  }
0x7: {  	s1 =	rddreg [dreg:$0x5];
	s9 =	sor.u32 s8, s2;
	s2 =	simm.s32 $0x0  }
0x8: {  	s8 =	ssub.s32 $0x2, s8;
	s10 =	smul.u32 $0x4E2, s9;
	[smem:$0x7FF] =	sst s2  }
0x9: {  	s11 =	sshrl.u32 s8, $0x1;
	s12 =	smul.u32 $0xE00, s9;
	s9 =	sshll.u32 s9, $0x6  }
0xa: {  	_ =	strace $0x80000047;
	s8 =	ssub.s32 s8, s11;
	s7 =	sadd.s32 s7, s9  }
0xb: {  	s9 =	simm.s32 $0x1;
	s11 =	simm.s32 $0x12E20;
	s3 =	sadd.s32 s3, s10  }
0xc: {  	s4 =	sadd.s32 s4, s10;
	s5 =	sadd.s32 s5, s12;
	s6 =	sadd.s32 s6, s12  }
0xd: {  	v0 =	vimm.s32 $0x0;
	v1 =	vlaneseq.u32;
	s8 =	smax.u32 s8, $0x1;
	s10 =	simm.s32 $0x2710;
	s12 =	simm.s32 $0x4E20  }
.LBB2_1:
0xe: {  	[tilespmem:s2], [sflag:$0x1] =	stream.linear.gather [hbm4b:s3+s2], $0x2710, $0x38;
	[tilespmem:$0x13020] =	vst v63  }
0xf: {  	_ =	swait.ge [sflag:s9], $0x2710  }
0x10: {  	[sflag:s9] =	ssyncset.done $0x0  }
0x11: {  	[sflag:s9] =	ssyncadd.s32 $0xFFFFD8F0  }
0x12: {  	[tilespmem:s10], [sflag:$0x1] =	stream.linear.gather [hbm4b:s4+s2], $0x2710, $0x38;
	[tilespmem:$0x13020] =	vst v63  }
0x13: {  	_ =	swait.ge [sflag:s9], $0x2710  }
0x14: {  	[sflag:s9] =	ssyncset.done $0x0  }
0x15: {  	[sflag:s9] =	ssyncadd.s32 $0xFFFFD8F0  }
0x16: {  	[tilespmem:$0x12E20] =	vst v0  }
0x17: {  	[tilespmem:$0x12E30] =	vst v0  }
0x18: {  	[tilespmem:$0x12E40] =	vst v0  }
0x19: {  	[tilespmem:$0x12E50] =	vst v0  }
0x1a: {  	[tilespmem:$0x12E60] =	vst v0  }
0x1b: {  	[tilespmem:$0x12E70] =	vst v0  }
0x1c: {  	[tilespmem:$0x12E80] =	vst v0  }
0x1d: {  	[tilespmem:$0x12E90] =	vst v0  }
0x1e: {  	[tilespmem:$0x12EA0] =	vst v0  }
0x1f: {  	[tilespmem:$0x12EB0] =	vst v0  }
0x20: {  	[tilespmem:$0x12EC0] =	vst v0  }
0x21: {  	[tilespmem:$0x12ED0] =	vst v0  }
0x22: {  	[tilespmem:$0x12EE0] =	vst v0  }
0x23: {  	[tilespmem:$0x12EF0] =	vst v0  }
0x24: {  	[tilespmem:$0x12F00] =	vst v0  }
0x25: {  	[tilespmem:$0x12F10] =	vst v0  }
0x26: {  	[tilespmem:$0x12F20] =	vst v0  }
0x27: {  	[tilespmem:$0x12F30] =	vst v0  }
0x28: {  	[tilespmem:$0x12F40] =	vst v0  }
0x29: {  	[tilespmem:$0x12F50] =	vst v0  }
0x2a: {  	[tilespmem:$0x12F60] =	vst v0  }
0x2b: {  	[tilespmem:$0x12F70] =	vst v0  }
0x2c: {  	[tilespmem:$0x12F80] =	vst v0  }
0x2d: {  	[tilespmem:$0x12F90] =	vst v0  }
0x2e: {  	[tilespmem:$0x12FA0] =	vst v0  }
0x2f: {  	[tilespmem:$0x12FB0] =	vst v0  }
0x30: {  	[tilespmem:$0x12FC0] =	vst v0  }
0x31: {  	[tilespmem:$0x12FD0] =	vst v0  }
0x32: {  	[tilespmem:$0x12FE0] =	vst v0  }
0x33: {  	[tilespmem:$0x12FF0] =	vst v0  }
0x34: {  	[tilespmem:$0x13000] =	vst v0  }
0x35: {  	s15 =	simm.s32 $0x0;
	[tilespmem:$0x13010] =	vst v0  }
.LBB2_2:
0x36: {  	s16 =	sshra.s32 s15, $0x2  }
0x37: {  	v2 =	vld [tilespmem:s16+$0x2710];
	_ =	sdelay $0x4  }
0x38: {  	v3 =	vmul.u32 $0x34586, v2;
	_ =	sdelay $0x1  }
0x39: {  	v3 =	vshra.s32 v3, $0x1A  }
0x3a: {  	v4 =	vshll.u32 v3, $0x4  }
0x3b: {  	v4 =	vor.u32 v1, v4;
	_ =	sdelay $0x4  }
0x3c: {  	v5 =	vld.idx.msk [tilespmem:v4+s11+$0x0], $0xffff;
	_ =	sdelay $0x4  }
0x3d: {  	vm0 =	vlt.s32 v5, $0x37  }
0x3e: {  	v3 =	vmul.u32 $0x380, v3;
	v6 =	vnsel vm0, $0x37, v5  }
0x3f: {  	v6 =	vshll.u32 v6, $0x4  }
0x40: {  	v3 =	vadd.s32 v6, v3  }
0x41: {  	v63 =	vld [tilespmem:s16+$0x0];
	v3 =	vor.u32 v1, v3  }
0x42: {  	p0 =	sne.s32 s15, $0x9C00  }
.Ltmp0:
0x43: {  	_ = 	snop;
	(pc) =	sbr.rel @p0 .LBB2_2-.Ltmp0, $4  }
0x44: {  	v5 =	vadd.s32 $0x1, v5  }
0x45: {  	[tilespmem:v4+s11+$0x0] =	vst.idx.msk $0xffff, v5  }
0x46: {  	[tilespmem:v3+s12+$0x0] =	vst.idx.msk $0xffff, v63  }
0x47: {  	s15 =	sadd.s32 $0x40, s15;
	[tilespmem:v3+s13+$0x0] =	vst.idx.msk $0xffff, v2  }
0x48: {  	[hbm4b:s5+s2] =	stream.linear.scatter [tilespmem:s12], [sflag:$0x1], $0x7000, $0x38;
	[tilespmem:$0x13020] =	vst v63  }
0x49: {  	_ =	swait.ge [sflag:s9], $0x7000  }
0x4a: {  	[sflag:s9] =	ssyncset.done $0x0  }
0x4b: {  	[sflag:s9] =	ssyncadd.s32 $0xFFFF9000  }
0x4c: {  	[hbm4b:s6+s2] =	stream.linear.scatter [tilespmem:s13], [sflag:$0x1], $0x7000, $0x38;
	[tilespmem:$0x13020] =	vst v63  }
0x4d: {  	s14 =	sadd.s32 $0x1, s14;
	_ =	swait.ge [sflag:s9], $0x7000  }
0x4e: {  	p0 =	sne.s32 s14, s8;
	[sflag:s9] =	ssyncset.done $0x0  }
.Ltmp1:
0x4f: {  	[sflag:s9] =	ssyncadd.s32 $0xFFFF9000;
	(pc) =	sbr.rel @p0 .LBB2_1-.Ltmp1, $4  }
0x50: {  	[hbm4b:s7+s2] =	stream.linear.scatter [tilespmem:s11], [sflag:$0x1], $0x200, $0x38;
	[tilespmem:$0x13020] =	vst v63  }
0x51: {  	_ =	swait.ge [sflag:s9], $0x200  }
0x52: {  	[sflag:s9] =	ssyncset.done $0x0  }
0x53: {  	[sflag:s9] =	ssyncadd.s32 $0xFFFFFE00  }
0x54: {  	_ =	sfence.sel $0x180000  }
0x55: {  	[bflag:$0x0] =	sbarrier.arrive $0xFFFF  }
0x56: {  	p0 =	sne.s32 s0, $0x0;
	_ =	strace $0x90000047  }
0x57: {  	s0 =	sadd.s32 @!p0 $0x100000, s1;
	[bflag:$0x2] =	sbarrier.arrive $0xFFFF  }
0x58: {  	[sflag:s0] =	ssyncadd.tile.s32 @!p0 $0x1;
	_ =	shalt  }
.Lfunc_end2:
_tile_overlayer_lowered:
.L_overlay_start_2:
0x59: {  	(tag) =	ssettag $0x2  }
0x5a: {  	s0 =	rddreg [dreg:$0x0];
	s2 =	stileid.u32  }
0x5b: {  	s1 =	rddreg [dreg:$0x1];
	p0 =	sne.s32 s2, $0x0  }
0x5c: {  	s3 =	rddreg [dreg:$0x2];
	[bflag:$0x3] =	sbarrier.arrive $0xFFFF;
	s2 =	simm.s32 @!p0 $0x1C01  }
0x5d: {  	[timem:s3], [sflag:s2] =	dma.local @!p0 [hbm:s0], s1  }
0x5e: {  	s0 =	simm.s32 @!p0 $0x1  }
0x5f: {  	_ =	swait.ge @!p0 [sflag:s0], s1  }
0x60: {  	s1 =	ssub.s32 @!p0 $0x0, s1;
	[sflag:s0] =	ssyncset.done @!p0 $0x0  }
0x61: {  	[sflag:s0] =	ssyncadd.s32 @!p0 s1  }
0x62: {  	[bflag:$0x3] =	sbarrier.arrive $0xFFFF  }
0x63: {  	_ =	shalt  }

</sc_bundles>
